<compile_context>
chip_gen: v7x
topology: tpu7x:2x2x1
jax: 0.10.2.dev20260603
libtpu: 0.0.44.dev20260713+nightly
codegen_flags: <defaults>
</compile_context>

<pallas_src>
import functools

import jax
import jax.numpy as jnp
from jax import lax
from jax.experimental import pallas as pl
from jax.experimental.pallas import tpu as pltpu
from jax.experimental.pallas import tpu_sc as plsc



def _xw_body(x_ref, w_ref, out_ref):
    out_ref[0] = jnp.dot(x_ref[...], w_ref[0],
                         preferred_element_type=jnp.float32)


def _compute_xw(x, weight, bn):
    n, d = x.shape
    r = weight.shape[0]
    return pl.pallas_call(
        _xw_body,
        grid=(n // bn, r),
        in_specs=[
            pl.BlockSpec((bn, d), lambda i, ri: (i, 0)),
            pl.BlockSpec((1, d, d), lambda i, ri: (ri, 0, 0)),
        ],
        out_specs=pl.BlockSpec((1, bn, d), lambda i, ri: (ri, i, 0)),
        out_shape=jax.ShapeDtypeStruct((r, n, d), jnp.float32),
    )(x, weight)



def _sc_gather_scatter(xw_flat, ei_flat, edge_type, zeros_blk, npad,
                       d, c_sz, nt, sb_sz, n, e):
    nsb = nt // sb_sz
    nc = sb_sz // c_sz
    rows = npad // 16
    mesh = plsc.VectorSubcoreMesh(core_axis_name="c", subcore_axis_name="s")

    @functools.partial(
        pl.kernel,
        mesh=mesh,
        out_type=jax.ShapeDtypeStruct((2, npad, d), jnp.float32),
        scratch_types=[
            pltpu.VMEM((sb_sz,), jnp.int32),
            pltpu.VMEM((sb_sz,), jnp.int32),
            pltpu.VMEM((sb_sz,), jnp.int32),
            pltpu.VMEM((c_sz, d), jnp.float32),
            pltpu.VMEM((c_sz, d), jnp.float32),
            pltpu.VMEM_SHARED((npad, d), jnp.float32),
            pltpu.SemaphoreType.DMA,
            pltpu.SemaphoreType.DMA,
        ],
    )
    def sc_kernel(xw_hbm, ei_hbm, et_hbm, zeros_hbm, out_hbm,
                  fidx_v, et_v, dst_v, rows_a, rows_b, acc_sh, sem_a,
                  sem_b):
        core = lax.axis_index("c")
        sub = lax.axis_index("s")
        wid = core * 16 + sub
        pltpu.sync_copy(zeros_hbm, acc_sh.at[pl.ds(sub * rows, rows)])
        plsc.subcore_barrier()

        def start_gather(i, buf, sem):
            i = jnp.minimum(i, nc - 1)
            off = pl.multiple_of(i * c_sz, 8)
            return pltpu.async_copy(
                xw_hbm.at[fidx_v.at[pl.ds(off, c_sz)]], buf, sem)

        def wait_gather(buf, sem):
            pltpu.make_async_copy(
                xw_hbm.at[fidx_v.at[pl.ds(0, c_sz)]], buf, sem).wait()

        def superblock(sb, carry):
            base = pl.multiple_of(wid * nt + sb * sb_sz, 8)
            pltpu.sync_copy(ei_hbm.at[pl.ds(base, sb_sz)], fidx_v)
            pltpu.sync_copy(et_hbm.at[pl.ds(base, sb_sz)], et_v)
            pltpu.sync_copy(ei_hbm.at[pl.ds(e + base, sb_sz)], dst_v)

            def fx(g, cf):
                goff = pl.multiple_of(g * 16, 16)
                fidx_v[pl.ds(goff, 16)] = (et_v[pl.ds(goff, 16)] * n
                                           + fidx_v[pl.ds(goff, 16)])
                return cf

            lax.fori_loop(0, sb_sz // 16, fx, 0)
            start_gather(0, rows_a, sem_a)

            def dst_slice(i):
                off = pl.multiple_of(i * c_sz, 8)
                return dst_v.at[pl.ds(off, c_sz)]

            def pair(j, carry2):
                i0 = j * 2
                start_gather(i0 + 1, rows_b, sem_b)
                wait_gather(rows_a, sem_a)
                pltpu.sync_copy(rows_a, acc_sh.at[dst_slice(i0)], add=True)
                start_gather(i0 + 2, rows_a, sem_a)
                wait_gather(rows_b, sem_b)
                pltpu.sync_copy(rows_b, acc_sh.at[dst_slice(i0 + 1)],
                                add=True)
                return carry2

            lax.fori_loop(0, nc // 2, pair, 0)
            wait_gather(rows_a, sem_a)
            return carry

        lax.fori_loop(0, nsb, superblock, 0)
        plsc.subcore_barrier()
        pltpu.sync_copy(acc_sh.at[pl.ds(sub * rows, rows)],
                        out_hbm.at[core, pl.ds(sub * rows, rows)])

    return sc_kernel(xw_flat, ei_flat, edge_type, zeros_blk)



def _selfp_body(x_ref, w_ref, b_ref, out_ref):
    out_ref[...] = (jnp.dot(x_ref[...], w_ref[...],
                            preferred_element_type=jnp.float32)
                    + b_ref[...])


def _selfp(x, w_self, bias, bn):
    n, d = x.shape
    return pl.pallas_call(
        _selfp_body,
        grid=(n // bn,),
        in_specs=[
            pl.BlockSpec((bn, d), lambda i: (i, 0)),
            pl.BlockSpec((d, d), lambda i: (0, 0)),
            pl.BlockSpec((1, d), lambda i: (0, 0)),
        ],
        out_specs=pl.BlockSpec((bn, d), lambda i: (i, 0)),
        out_shape=jax.ShapeDtypeStruct((n, d), jnp.float32),
    )(x, w_self, bias.reshape(1, d))


def _final_body(acc_ref, sp_ref, out_ref):
    t = acc_ref[0] + acc_ref[1] + sp_ref[...]
    out_ref[...] = jnp.maximum(t, 0.0)


def _final(acc, selfp, bn):
    n, d = selfp.shape
    return pl.pallas_call(
        _final_body,
        grid=(n // bn,),
        in_specs=[
            pl.BlockSpec((2, bn, d), lambda i: (0, i, 0)),
            pl.BlockSpec((bn, d), lambda i: (i, 0)),
        ],
        out_specs=pl.BlockSpec((bn, d), lambda i: (i, 0)),
        out_shape=jax.ShapeDtypeStruct((n, d), jnp.float32),
    )(acc, selfp)



def kernel(x, edge_index, edge_type, num_entities, weight,
           self_loop_weight, bias):
    n, d = x.shape
    r = weight.shape[0]
    e = edge_type.shape[0]

    xw = _compute_xw(x, weight, bn=10000)
    xw_flat = xw.reshape(r * n, d)

    nw = 32
    nt = e // nw
    sb_sz = 2000
    nsb = nt // sb_sz
    c_sz = 40
    nc = sb_sz // c_sz
    npad = ((n // 16 + 7) // 8 * 8) * 16
    zeros_blk = jnp.zeros((npad // 16, d), jnp.float32)

    acc = _sc_gather_scatter(xw_flat, edge_index.reshape(2 * e),
                             edge_type, zeros_blk, npad, d, c_sz, nt,
                             sb_sz, n, e)
    selfp = _selfp(x, self_loop_weight, bias, bn=2000)
    return _final(acc, selfp, bn=2000)

# --- scband reference (transcript-rebuilt; emitter-appended) ---
"""Pipeline reference for scband-rgcnlayer-63617055588530 (READ-ONLY COPY).

The authoritative reference and input builder live on the scoring server;
editing this copy changes nothing except your own understanding.
"""

import jax, jax.numpy as jnp
import numpy as np


def setup_inputs(seed: int = 0) -> dict:
    key = jax.random.key(seed)
    k1, k2, k3, k4, k5 = jax.random.split(key, 5)
    N, E, D, R = 10000, 320000, 128, 16
    x = jax.random.normal(k1, (N, D), dtype=jnp.float32)
    edge_index = jax.random.randint(k2, (2, E), 0, N, dtype=jnp.int32)
    edge_type = jax.random.randint(k3, (E,), 0, R, dtype=jnp.int32)
    # xavier_uniform init for weights
    limit = float(np.sqrt(6.0 / (D + D)))
    weight = jax.random.uniform(k4, (R, D, D), dtype=jnp.float32, minval=-limit, maxval=limit)
    self_loop_weight = jax.random.uniform(k5, (D, D), dtype=jnp.float32, minval=-limit, maxval=limit)
    bias = jnp.zeros((D,), dtype=jnp.float32)
    return {
        "x": x,
        "edge_index": edge_index,
        "edge_type": edge_type,
        "num_entities": N,
        "weight": weight,
        "self_loop_weight": self_loop_weight,
        "bias": bias,
    }


def reference(x, edge_index, edge_type, num_entities, weight, self_loop_weight, bias):
    # Faithful vectorization of the per-edge loop:
    #   out[dst] += x[src] @ weight[rel]
    # Computed as: transform x by every relation matrix, then gather the
    # (rel, src) row per edge and scatter-add into dst. Mathematically
    # identical to the sequential loop (sum of per-edge contributions).
    src = edge_index[0]
    dst = edge_index[1]
    xw = jnp.einsum('ni,rio->rno', x, weight)          # [R, N, out_dim]
    msgs = xw[edge_type, src]                          # gather -> [E, out_dim]
    out = jnp.zeros_like(x)
    out = out.at[dst].add(msgs)                        # scatter-add
    out = out + x @ self_loop_weight
    return jax.nn.relu(out + bias)

if __name__ == "__main__":
    import jax
    _d = setup_inputs()
    print(jax.jit(kernel)(*tuple(_d.values())))

</pallas_src>

<mosaic_0001>
#map = affine_map<(d0, d1) -> (0, 0)>
#map1 = affine_map<(d0, d1) -> (0)>
#map2 = affine_map<(d0, d1) -> (0, 0, 0)>
module attributes {stable_mosaic.version = 14 : i64} {
  func.func @sc_kernel(%arg0: i32, %arg1: i32, %arg2: memref<160000x128xf32, #tpu.memory_space<hbm>>, %arg3: memref<640000xi32, #tpu.memory_space<hbm>>, %arg4: memref<320000xi32, #tpu.memory_space<hbm>>, %arg5: memref<632x128xf32, #tpu.memory_space<hbm>>, %arg6: memref<2x10112x128xf32, #tpu.memory_space<hbm>>, %arg7: memref<2000xi32, #tpu.memory_space<vmem>>, %arg8: memref<2000xi32, #tpu.memory_space<vmem>>, %arg9: memref<2000xi32, #tpu.memory_space<vmem>>, %arg10: memref<40x128xf32, #tpu.memory_space<vmem>>, %arg11: memref<40x128xf32, #tpu.memory_space<vmem>>, %arg12: memref<10112x128xf32, #tpu.memory_space<vmem_shared>>, %arg13: memref<!tpu.dma_semaphore, #tpu.memory_space<semaphore_mem>>, %arg14: memref<!tpu.dma_semaphore, #tpu.memory_space<semaphore_mem>>) attributes {dimension_semantics = [#tpu.dimension_semantics<core_parallel>, #tpu.dimension_semantics<subcore_parallel>], iteration_bounds = array<i64: 2, 16>, scalar_prefetch = 0 : i64, scratch_operands = 8 : i64, tpu.core_type = #tpu.core_type<sc_vector_subcore>, window_params = [{transform_indices = #map}, {transform_indices = #map1}, {transform_indices = #map1}, {transform_indices = #map}, {transform_indices = #map2}]} {
    %mul3A = arith.constant 16 : i32
    %mul3A_0 = arith.muli %arg0, %mul3A : i32
    %add3A = arith.addi %mul3A_0, %arg1 : i32
    %mul3A_1 = arith.constant 632 : i32
    %mul3A_2 = arith.muli %arg1, %mul3A_1 : i32
    "tpu.region"() ({
      %run_scoped3A = tpu.sem_alloc : memref<!tpu.dma_semaphore, #tpu.memory_space<semaphore_mem>>
      %dma_start3A = arith.constant 0 : i32
      %dma_start3A_13 = tpu.memref_slice %arg12[%mul3A_2, %dma_start3A] : memref<10112x128xf32, #tpu.memory_space<vmem_shared>> -> memref<632x128xf32, #tpu.memory_space<vmem_shared>>
      tpu.enqueue_dma source(%arg5 : memref<632x128xf32, #tpu.memory_space<hbm>>) target(%dma_start3A_13 : memref<632x128xf32, #tpu.memory_space<vmem_shared>>) target_semaphore(%run_scoped3A : memref<!tpu.dma_semaphore, #tpu.memory_space<semaphore_mem>>)
      %dma_wait3A = arith.constant 0 : i32
      %dma_wait3A_14 = tpu.memref_slice %arg12[%mul3A_2, %dma_wait3A] : memref<10112x128xf32, #tpu.memory_space<vmem_shared>> -> memref<632x128xf32, #tpu.memory_space<vmem_shared>>
      tpu.wait_dma2 semaphore(%run_scoped3A : memref<!tpu.dma_semaphore, #tpu.memory_space<semaphore_mem>>) src(%arg5 : memref<632x128xf32, #tpu.memory_space<hbm>>) dst(%dma_wait3A_14 : memref<632x128xf32, #tpu.memory_space<vmem_shared>>)
      tpu.yield
    }) : () -> ()
    %barrier3A = arith.constant 0 : index
    tpu.barrier barrier_id(%barrier3A)
    %scan3A = arith.constant 0 : i32
    %scan3A_3 = arith.constant 0 : i32
    %scan3A_4 = arith.constant 5 : i32
    %scan3A_5 = arith.addi %scan3A_3, %scan3A_4 : i32
    %scan3A_6 = arith.constant 1 : i32
    scf.for %scan3A_13 = %scan3A_3 to %scan3A_5 step %scan3A_6  : i32 {
      %mul3A_14 = arith.constant 10000 : i32
      %mul3A_15 = arith.muli %add3A, %mul3A_14 : i32
      %mul3A_16 = arith.constant 2000 : i32
      %mul3A_17 = arith.muli %scan3A_13, %mul3A_16 : i32
      %add3A_18 = arith.addi %mul3A_15, %mul3A_17 : i32
      %multiple_of3A = tpu.assume_multiple %add3A_18, 8 : i32
      "tpu.region"() ({
        %run_scoped3A = tpu.sem_alloc : memref<!tpu.dma_semaphore, #tpu.memory_space<semaphore_mem>>
        %dma_start3A_45 = tpu.memref_slice %arg3[%multiple_of3A] : memref<640000xi32, #tpu.memory_space<hbm>> -> memref<2000xi32, #tpu.memory_space<hbm>>
        %dma_start3A_46 = tpu.memref_slice %arg3[%multiple_of3A] : memref<640000xi32, #tpu.memory_space<hbm>> -> memref<2000xi32, #tpu.memory_space<hbm>>
        tpu.enqueue_dma source(%dma_start3A_46 : memref<2000xi32, #tpu.memory_space<hbm>>) target(%arg7 : memref<2000xi32, #tpu.memory_space<vmem>>) target_semaphore(%run_scoped3A : memref<!tpu.dma_semaphore, #tpu.memory_space<semaphore_mem>>)
        %dma_wait3A_47 = tpu.memref_slice %arg3[%multiple_of3A] : memref<640000xi32, #tpu.memory_space<hbm>> -> memref<2000xi32, #tpu.memory_space<hbm>>
        %dma_wait3A_48 = tpu.memref_slice %arg3[%multiple_of3A] : memref<640000xi32, #tpu.memory_space<hbm>> -> memref<2000xi32, #tpu.memory_space<hbm>>
        tpu.wait_dma2 semaphore(%run_scoped3A : memref<!tpu.dma_semaphore, #tpu.memory_space<semaphore_mem>>) src(%dma_wait3A_48 : memref<2000xi32, #tpu.memory_space<hbm>>) dst(%arg7 : memref<2000xi32, #tpu.memory_space<vmem>>)
        tpu.yield
      }) : () -> ()
      "tpu.region"() ({
        %run_scoped3A = tpu.sem_alloc : memref<!tpu.dma_semaphore, #tpu.memory_space<semaphore_mem>>
        %dma_start3A_45 = tpu.memref_slice %arg4[%multiple_of3A] : memref<320000xi32, #tpu.memory_space<hbm>> -> memref<2000xi32, #tpu.memory_space<hbm>>
        %dma_start3A_46 = tpu.memref_slice %arg4[%multiple_of3A] : memref<320000xi32, #tpu.memory_space<hbm>> -> memref<2000xi32, #tpu.memory_space<hbm>>
        tpu.enqueue_dma source(%dma_start3A_46 : memref<2000xi32, #tpu.memory_space<hbm>>) target(%arg8 : memref<2000xi32, #tpu.memory_space<vmem>>) target_semaphore(%run_scoped3A : memref<!tpu.dma_semaphore, #tpu.memory_space<semaphore_mem>>)
        %dma_wait3A_47 = tpu.memref_slice %arg4[%multiple_of3A] : memref<320000xi32, #tpu.memory_space<hbm>> -> memref<2000xi32, #tpu.memory_space<hbm>>
        %dma_wait3A_48 = tpu.memref_slice %arg4[%multiple_of3A] : memref<320000xi32, #tpu.memory_space<hbm>> -> memref<2000xi32, #tpu.memory_space<hbm>>
        tpu.wait_dma2 semaphore(%run_scoped3A : memref<!tpu.dma_semaphore, #tpu.memory_space<semaphore_mem>>) src(%dma_wait3A_48 : memref<2000xi32, #tpu.memory_space<hbm>>) dst(%arg8 : memref<2000xi32, #tpu.memory_space<vmem>>)
        tpu.yield
      }) : () -> ()
      %add3A_19 = arith.constant 320000 : i32
      %add3A_20 = arith.addi %add3A_19, %multiple_of3A : i32
      "tpu.region"() ({
        %run_scoped3A = tpu.sem_alloc : memref<!tpu.dma_semaphore, #tpu.memory_space<semaphore_mem>>
        %dma_start3A_45 = tpu.memref_slice %arg3[%add3A_20] : memref<640000xi32, #tpu.memory_space<hbm>> -> memref<2000xi32, #tpu.memory_space<hbm>>
        %dma_start3A_46 = tpu.memref_slice %arg3[%add3A_20] : memref<640000xi32, #tpu.memory_space<hbm>> -> memref<2000xi32, #tpu.memory_space<hbm>>
        tpu.enqueue_dma source(%dma_start3A_46 : memref<2000xi32, #tpu.memory_space<hbm>>) target(%arg9 : memref<2000xi32, #tpu.memory_space<vmem>>) target_semaphore(%run_scoped3A : memref<!tpu.dma_semaphore, #tpu.memory_space<semaphore_mem>>)
        %dma_wait3A_47 = tpu.memref_slice %arg3[%add3A_20] : memref<640000xi32, #tpu.memory_space<hbm>> -> memref<2000xi32, #tpu.memory_space<hbm>>
        %dma_wait3A_48 = tpu.memref_slice %arg3[%add3A_20] : memref<640000xi32, #tpu.memory_space<hbm>> -> memref<2000xi32, #tpu.memory_space<hbm>>
        tpu.wait_dma2 semaphore(%run_scoped3A : memref<!tpu.dma_semaphore, #tpu.memory_space<semaphore_mem>>) src(%dma_wait3A_48 : memref<2000xi32, #tpu.memory_space<hbm>>) dst(%arg9 : memref<2000xi32, #tpu.memory_space<vmem>>)
        tpu.yield
      }) : () -> ()
      %scan3A_21 = arith.constant 0 : i32
      %scan3A_22 = arith.constant 0 : i32
      %scan3A_23 = arith.constant 125 : i32
      %scan3A_24 = arith.addi %scan3A_22, %scan3A_23 : i32
      %scan3A_25 = arith.constant 1 : i32
      scf.for %scan3A_45 = %scan3A_22 to %scan3A_24 step %scan3A_25  : i32 {
        %mul3A_46 = arith.constant 16 : i32
        %mul3A_47 = arith.muli %scan3A_45, %mul3A_46 : i32
        %multiple_of3A_48 = tpu.assume_multiple %mul3A_47, 16 : i32
        %get3A = arith.index_cast %multiple_of3A_48 : i32 to index
        %get3A_49 = tpu.vector_load %arg8[%get3A] {strides = array<i32>} : memref<2000xi32, #tpu.memory_space<vmem>>, vector<16xi32>,
        %get3A_50 = vector.shape_cast %get3A_49 : vector<16xi32> to vector<16xi32>
        %mul3A_51 = arith.constant 10000 : i32
        %mul3A_52 = vector.broadcast %mul3A_51 : i32 to vector<16xi32>
        %mul3A_53 = arith.muli %get3A_50, %mul3A_52 : vector<16xi32>
        %get3A_54 = arith.index_cast %multiple_of3A_48 : i32 to index
        %get3A_55 = tpu.vector_load %arg7[%get3A_54] {strides = array<i32>} : memref<2000xi32, #tpu.memory_space<vmem>>, vector<16xi32>,
        %get3A_56 = vector.shape_cast %get3A_55 : vector<16xi32> to vector<16xi32>
        %add3A_57 = arith.addi %mul3A_53, %get3A_56 : vector<16xi32>
        %swap3A = arith.index_cast %multiple_of3A_48 : i32 to index
        %swap3A_58 = tpu.vector_load %arg7[%swap3A] {strides = array<i32>} : memref<2000xi32, #tpu.memory_space<vmem>>, vector<16xi32>,
        %swap3A_59 = vector.shape_cast %swap3A_58 : vector<16xi32> to vector<16xi32>
        %swap3A_60 = vector.shape_cast %add3A_57 : vector<16xi32> to vector<16xi32>
        tpu.vector_store %arg7[%swap3A], %swap3A_60 {strides = array<i32>} : memref<2000xi32, #tpu.memory_space<vmem>>, vector<16xi32>,
      }
      %scan3A_26 = arith.constant 125 : i32
      %min3A = arith.constant 0 : i32
      %min3A_27 = arith.constant 49 : i32
      %min3A_28 = arith.minsi %min3A, %min3A_27 : i32
      %mul3A_29 = arith.constant 40 : i32
      %mul3A_30 = arith.muli %min3A_28, %mul3A_29 : i32
      %multiple_of3A_31 = tpu.assume_multiple %mul3A_30, 8 : i32
      %dma_start3A = tpu.memref_slice %arg7[%multiple_of3A_31] : memref<2000xi32, #tpu.memory_space<vmem>> -> memref<40xi32, #tpu.memory_space<vmem>>
      %dma_start3A_32 = arith.constant 0 : i32
      %dma_start3A_33 = arith.constant 0 : i32
      %dma_start3A_34 = tpu.memref_slice %arg2[%dma_start3A_32, %dma_start3A_33] : memref<160000x128xf32, #tpu.memory_space<hbm>> -> memref<160000x128xf32, #tpu.memory_space<hbm>>
      tpu.enqueue_indirect_dma source(%dma_start3A_34 : memref<160000x128xf32, #tpu.memory_space<hbm>>) target(%arg10 : memref<40x128xf32, #tpu.memory_space<vmem>>) offsets(%dma_start3A : memref<40xi32, #tpu.memory_space<vmem>>) semaphore(%arg13 : memref<!tpu.dma_semaphore, #tpu.memory_space<semaphore_mem>>)
      %scan3A_35 = arith.constant 0 : i32
      %scan3A_36 = arith.constant 0 : i32
      %scan3A_37 = arith.constant 25 : i32
      %scan3A_38 = arith.addi %scan3A_36, %scan3A_37 : i32
      %scan3A_39 = arith.constant 1 : i32
      scf.for %scan3A_45 = %scan3A_36 to %scan3A_38 step %scan3A_39  : i32 {
        %mul3A_46 = arith.constant 2 : i32
        %mul3A_47 = arith.muli %scan3A_45, %mul3A_46 : i32
        %add3A_48 = arith.constant 1 : i32
        %add3A_49 = arith.addi %mul3A_47, %add3A_48 : i32
        %min3A_50 = arith.constant 49 : i32
        %min3A_51 = arith.minsi %add3A_49, %min3A_50 : i32
        %mul3A_52 = arith.constant 40 : i32
        %mul3A_53 = arith.muli %min3A_51, %mul3A_52 : i32
        %multiple_of3A_54 = tpu.assume_multiple %mul3A_53, 8 : i32
        %dma_start3A_55 = tpu.memref_slice %arg7[%multiple_of3A_54] : memref<2000xi32, #tpu.memory_space<vmem>> -> memref<40xi32, #tpu.memory_space<vmem>>
        %dma_start3A_56 = arith.constant 0 : i32
        %dma_start3A_57 = arith.constant 0 : i32
        %dma_start3A_58 = tpu.memref_slice %arg2[%dma_start3A_56, %dma_start3A_57] : memref<160000x128xf32, #tpu.memory_space<hbm>> -> memref<160000x128xf32, #tpu.memory_space<hbm>>
        tpu.enqueue_indirect_dma source(%dma_start3A_58 : memref<160000x128xf32, #tpu.memory_space<hbm>>) target(%arg11 : memref<40x128xf32, #tpu.memory_space<vmem>>) offsets(%dma_start3A_55 : memref<40xi32, #tpu.memory_space<vmem>>) semaphore(%arg14 : memref<!tpu.dma_semaphore, #tpu.memory_space<semaphore_mem>>)
        %dma_wait3A_59 = arith.constant 0 : i32
        %dma_wait3A_60 = tpu.memref_slice %arg7[%dma_wait3A_59] : memref<2000xi32, #tpu.memory_space<vmem>> -> memref<40xi32, #tpu.memory_space<vmem>>
        %dma_wait3A_61 = arith.constant 0 : i32
        %dma_wait3A_62 = arith.constant 0 : i32
        %dma_wait3A_63 = tpu.memref_slice %arg2[%dma_wait3A_61, %dma_wait3A_62] : memref<160000x128xf32, #tpu.memory_space<hbm>> -> memref<160000x128xf32, #tpu.memory_space<hbm>>
        tpu.wait_indirect_dma semaphore(%arg13 : memref<!tpu.dma_semaphore, #tpu.memory_space<semaphore_mem>>) src(%dma_wait3A_63 : memref<160000x128xf32, #tpu.memory_space<hbm>>) dst(%arg10 : memref<40x128xf32, #tpu.memory_space<vmem>>)
        %mul3A_64 = arith.constant 40 : i32
        %mul3A_65 = arith.muli %mul3A_47, %mul3A_64 : i32
        %multiple_of3A_66 = tpu.assume_multiple %mul3A_65, 8 : i32
        "tpu.region"() ({
          %run_scoped3A = tpu.sem_alloc : memref<!tpu.dma_semaphore, #tpu.memory_space<semaphore_mem>>
          %dma_start3A_88 = tpu.memref_slice %arg9[%multiple_of3A_66] : memref<2000xi32, #tpu.memory_space<vmem>> -> memref<40xi32, #tpu.memory_space<vmem>>
          %dma_start3A_89 = arith.constant 0 : i32
          %dma_start3A_90 = arith.constant 0 : i32
          %dma_start3A_91 = tpu.memref_slice %arg12[%dma_start3A_89, %dma_start3A_90] : memref<10112x128xf32, #tpu.memory_space<vmem_shared>> -> memref<10112x128xf32, #tpu.memory_space<vmem_shared>>
          tpu.enqueue_indirect_dma source(%arg10 : memref<40x128xf32, #tpu.memory_space<vmem>>) target(%dma_start3A_91 : memref<10112x128xf32, #tpu.memory_space<vmem_shared>>) offsets(%dma_start3A_88 : memref<40xi32, #tpu.memory_space<vmem>>) semaphore(%run_scoped3A : memref<!tpu.dma_semaphore, #tpu.memory_space<semaphore_mem>>) {add = true}
          %dma_wait3A_92 = tpu.memref_slice %arg9[%multiple_of3A_66] : memref<2000xi32, #tpu.memory_space<vmem>> -> memref<40xi32, #tpu.memory_space<vmem>>
          %dma_wait3A_93 = arith.constant 0 : i32
          %dma_wait3A_94 = arith.constant 0 : i32
          %dma_wait3A_95 = tpu.memref_slice %arg12[%dma_wait3A_93, %dma_wait3A_94] : memref<10112x128xf32, #tpu.memory_space<vmem_shared>> -> memref<10112x128xf32, #tpu.memory_space<vmem_shared>>
          tpu.wait_indirect_dma semaphore(%run_scoped3A : memref<!tpu.dma_semaphore, #tpu.memory_space<semaphore_mem>>) src(%arg10 : memref<40x128xf32, #tpu.memory_space<vmem>>) dst(%dma_wait3A_95 : memref<10112x128xf32, #tpu.memory_space<vmem_shared>>)
          tpu.yield
        }) : () -> ()
        %add3A_67 = arith.constant 2 : i32
        %add3A_68 = arith.addi %mul3A_47, %add3A_67 : i32
        %min3A_69 = arith.constant 49 : i32
        %min3A_70 = arith.minsi %add3A_68, %min3A_69 : i32
        %mul3A_71 = arith.constant 40 : i32
        %mul3A_72 = arith.muli %min3A_70, %mul3A_71 : i32
        %multiple_of3A_73 = tpu.assume_multiple %mul3A_72, 8 : i32
        %dma_start3A_74 = tpu.memref_slice %arg7[%multiple_of3A_73] : memref<2000xi32, #tpu.memory_space<vmem>> -> memref<40xi32, #tpu.memory_space<vmem>>
        %dma_start3A_75 = arith.constant 0 : i32
        %dma_start3A_76 = arith.constant 0 : i32
        %dma_start3A_77 = tpu.memref_slice %arg2[%dma_start3A_75, %dma_start3A_76] : memref<160000x128xf32, #tpu.memory_space<hbm>> -> memref<160000x128xf32, #tpu.memory_space<hbm>>
        tpu.enqueue_indirect_dma source(%dma_start3A_77 : memref<160000x128xf32, #tpu.memory_space<hbm>>) target(%arg10 : memref<40x128xf32, #tpu.memory_space<vmem>>) offsets(%dma_start3A_74 : memref<40xi32, #tpu.memory_space<vmem>>) semaphore(%arg13 : memref<!tpu.dma_semaphore, #tpu.memory_space<semaphore_mem>>)
        %dma_wait3A_78 = arith.constant 0 : i32
        %dma_wait3A_79 = tpu.memref_slice %arg7[%dma_wait3A_78] : memref<2000xi32, #tpu.memory_space<vmem>> -> memref<40xi32, #tpu.memory_space<vmem>>
        %dma_wait3A_80 = arith.constant 0 : i32
        %dma_wait3A_81 = arith.constant 0 : i32
        %dma_wait3A_82 = tpu.memref_slice %arg2[%dma_wait3A_80, %dma_wait3A_81] : memref<160000x128xf32, #tpu.memory_space<hbm>> -> memref<160000x128xf32, #tpu.memory_space<hbm>>
        tpu.wait_indirect_dma semaphore(%arg14 : memref<!tpu.dma_semaphore, #tpu.memory_space<semaphore_mem>>) src(%dma_wait3A_82 : memref<160000x128xf32, #tpu.memory_space<hbm>>) dst(%arg11 : memref<40x128xf32, #tpu.memory_space<vmem>>)
        %add3A_83 = arith.constant 1 : i32
        %add3A_84 = arith.addi %mul3A_47, %add3A_83 : i32
        %mul3A_85 = arith.constant 40 : i32
        %mul3A_86 = arith.muli %add3A_84, %mul3A_85 : i32
        %multiple_of3A_87 = tpu.assume_multiple %mul3A_86, 8 : i32
        "tpu.region"() ({
          %run_scoped3A = tpu.sem_alloc : memref<!tpu.dma_semaphore, #tpu.memory_space<semaphore_mem>>
          %dma_start3A_88 = tpu.memref_slice %arg9[%multiple_of3A_87] : memref<2000xi32, #tpu.memory_space<vmem>> -> memref<40xi32, #tpu.memory_space<vmem>>
          %dma_start3A_89 = arith.constant 0 : i32
          %dma_start3A_90 = arith.constant 0 : i32
          %dma_start3A_91 = tpu.memref_slice %arg12[%dma_start3A_89, %dma_start3A_90] : memref<10112x128xf32, #tpu.memory_space<vmem_shared>> -> memref<10112x128xf32, #tpu.memory_space<vmem_shared>>
          tpu.enqueue_indirect_dma source(%arg11 : memref<40x128xf32, #tpu.memory_space<vmem>>) target(%dma_start3A_91 : memref<10112x128xf32, #tpu.memory_space<vmem_shared>>) offsets(%dma_start3A_88 : memref<40xi32, #tpu.memory_space<vmem>>) semaphore(%run_scoped3A : memref<!tpu.dma_semaphore, #tpu.memory_space<semaphore_mem>>) {add = true}
          %dma_wait3A_92 = tpu.memref_slice %arg9[%multiple_of3A_87] : memref<2000xi32, #tpu.memory_space<vmem>> -> memref<40xi32, #tpu.memory_space<vmem>>
          %dma_wait3A_93 = arith.constant 0 : i32
          %dma_wait3A_94 = arith.constant 0 : i32
          %dma_wait3A_95 = tpu.memref_slice %arg12[%dma_wait3A_93, %dma_wait3A_94] : memref<10112x128xf32, #tpu.memory_space<vmem_shared>> -> memref<10112x128xf32, #tpu.memory_space<vmem_shared>>
          tpu.wait_indirect_dma semaphore(%run_scoped3A : memref<!tpu.dma_semaphore, #tpu.memory_space<semaphore_mem>>) src(%arg11 : memref<40x128xf32, #tpu.memory_space<vmem>>) dst(%dma_wait3A_95 : memref<10112x128xf32, #tpu.memory_space<vmem_shared>>)
          tpu.yield
        }) : () -> ()
      }
      %scan3A_40 = arith.constant 25 : i32
      %dma_wait3A = arith.constant 0 : i32
      %dma_wait3A_41 = tpu.memref_slice %arg7[%dma_wait3A] : memref<2000xi32, #tpu.memory_space<vmem>> -> memref<40xi32, #tpu.memory_space<vmem>>
      %dma_wait3A_42 = arith.constant 0 : i32
      %dma_wait3A_43 = arith.constant 0 : i32
      %dma_wait3A_44 = tpu.memref_slice %arg2[%dma_wait3A_42, %dma_wait3A_43] : memref<160000x128xf32, #tpu.memory_space<hbm>> -> memref<160000x128xf32, #tpu.memory_space<hbm>>
      tpu.wait_indirect_dma semaphore(%arg13 : memref<!tpu.dma_semaphore, #tpu.memory_space<semaphore_mem>>) src(%dma_wait3A_44 : memref<160000x128xf32, #tpu.memory_space<hbm>>) dst(%arg10 : memref<40x128xf32, #tpu.memory_space<vmem>>)
    }
    %scan3A_7 = arith.constant 5 : i32
    %barrier3A_8 = arith.constant 0 : index
    tpu.barrier barrier_id(%barrier3A_8)
    %mul3A_9 = arith.constant 632 : i32
    %mul3A_10 = arith.muli %arg1, %mul3A_9 : i32
    %mul3A_11 = arith.constant 632 : i32
    %mul3A_12 = arith.muli %arg1, %mul3A_11 : i32
    "tpu.region"() ({
      %run_scoped3A = tpu.sem_alloc : memref<!tpu.dma_semaphore, #tpu.memory_space<semaphore_mem>>
      %dma_start3A = arith.constant 0 : i32
      %dma_start3A_13 = tpu.memref_slice %arg6[%arg0, %mul3A_12, %dma_start3A] : memref<2x10112x128xf32, #tpu.memory_space<hbm>> -> memref<1x632x128xf32, #tpu.memory_space<hbm>>
      %dma_start3A_14 = tpu.memref_squeeze %dma_start3A_13 : memref<1x632x128xf32, #tpu.memory_space<hbm>> -> memref<632x128xf32, #tpu.memory_space<hbm>>
      %dma_start3A_15 = arith.constant 0 : i32
      %dma_start3A_16 = tpu.memref_slice %arg12[%mul3A_10, %dma_start3A_15] : memref<10112x128xf32, #tpu.memory_space<vmem_shared>> -> memref<632x128xf32, #tpu.memory_space<vmem_shared>>
      tpu.enqueue_dma source(%dma_start3A_16 : memref<632x128xf32, #tpu.memory_space<vmem_shared>>) target(%dma_start3A_14 : memref<632x128xf32, #tpu.memory_space<hbm>>) target_semaphore(%run_scoped3A : memref<!tpu.dma_semaphore, #tpu.memory_space<semaphore_mem>>)
      %dma_wait3A = arith.constant 0 : i32
      %dma_wait3A_17 = tpu.memref_slice %arg6[%arg0, %mul3A_12, %dma_wait3A] : memref<2x10112x128xf32, #tpu.memory_space<hbm>> -> memref<1x632x128xf32, #tpu.memory_space<hbm>>
      %dma_wait3A_18 = tpu.memref_squeeze %dma_wait3A_17 : memref<1x632x128xf32, #tpu.memory_space<hbm>> -> memref<632x128xf32, #tpu.memory_space<hbm>>
      %dma_wait3A_19 = arith.constant 0 : i32
      %dma_wait3A_20 = tpu.memref_slice %arg12[%mul3A_10, %dma_wait3A_19] : memref<10112x128xf32, #tpu.memory_space<vmem_shared>> -> memref<632x128xf32, #tpu.memory_space<vmem_shared>>
      tpu.wait_dma2 semaphore(%run_scoped3A : memref<!tpu.dma_semaphore, #tpu.memory_space<semaphore_mem>>) src(%dma_wait3A_20 : memref<632x128xf32, #tpu.memory_space<vmem_shared>>) dst(%dma_wait3A_18 : memref<632x128xf32, #tpu.memory_space<hbm>>)
      tpu.yield
    }) : () -> ()
    return
  }
}

module attributes {stable_mosaic.version = 14 : i64} {
  func.func @_selfp_body(%arg0: i32, %arg1: memref<2000x128xf32, #tpu.memory_space<vmem>>, %arg2: memref<128x128xf32, #tpu.memory_space<vmem>>, %arg3: memref<1x128xf32, #tpu.memory_space<vmem>>, %arg4: memref<2000x128xf32, #tpu.memory_space<vmem>>) attributes {dimension_semantics = [#tpu.dimension_semantics<arbitrary>], iteration_bounds = array<i64: 5>, scalar_prefetch = 0 : i64, scratch_operands = 0 : i64, tpu.core_type = #tpu.core_type<tc>, window_params = [{transform_indices = @transform_0, window_bounds = array<i64: 2000, 128>}, {pipeline_mode = #tpu.pipeline_mode<synchronous>, transform_indices = @transform_1, window_bounds = array<i64: 128, 128>}, {pipeline_mode = #tpu.pipeline_mode<synchronous>, transform_indices = @transform_2, window_bounds = array<i64: 1, 128>}, {transform_indices = @transform_3, window_bounds = array<i64: 2000, 128>}]} {
    %get3A = arith.constant 0 : index
    %get3A_0 = arith.constant 0 : index
    %get3A_1 = vector.load %arg1[%get3A, %get3A_0] : memref<2000x128xf32, #tpu.memory_space<vmem>>, vector<2000x128xf32>
    %get3A_2 = arith.constant 0 : index
    %get3A_3 = arith.constant 0 : index
    %get3A_4 = vector.load %arg2[%get3A_2, %get3A_3] : memref<128x128xf32, #tpu.memory_space<vmem>>, vector<128x128xf32>
    %dot_general3A = arith.constant dense<0.000000e+00> : vector<2000x128xf32>
    %dot_general3A_5 = tpu.matmul %get3A_1, %get3A_4, %dot_general3A {dimension_numbers = #tpu.dot_dimension_numbers<[1], [0], [0], [1], [0, 0, 1, 1], [], []>, transpose_lhs_hint = false} : vector<2000x128xf32>, vector<128x128xf32>, vector<2000x128xf32> -> vector<2000x128xf32>
    %get3A_6 = arith.constant 0 : index
    %get3A_7 = arith.constant 0 : index
    %get3A_8 = vector.load %arg3[%get3A_6, %get3A_7] : memref<1x128xf32, #tpu.memory_space<vmem>>, vector<1x128xf32>
    %add3A = vector.broadcast %get3A_8 : vector<1x128xf32> to vector<2000x128xf32>
    %add3A_9 = arith.addf %dot_general3A_5, %add3A : vector<2000x128xf32>
    %swap3A = arith.constant 0 : index
    %swap3A_10 = arith.constant 0 : index
    %swap3A_11 = vector.load %arg4[%swap3A, %swap3A_10] : memref<2000x128xf32, #tpu.memory_space<vmem>>, vector<2000x128xf32>
    tpu.vector_store %arg4[%swap3A, %swap3A_10], %add3A_9 {strides = array<i32>} : memref<2000x128xf32, #tpu.memory_space<vmem>>, vector<2000x128xf32>,
    return
  }
  func.func @transform_0(%arg0: i32) -> (i32, i32) {
    %c0_i32 = arith.constant 0 : i32
    %c0_i32_0 = arith.constant 0 : i32
    return %arg0, %c0_i32 : i32, i32
  }
  func.func @transform_1(%arg0: i32) -> (i32, i32) {
    %c0_i32 = arith.constant 0 : i32
    %c0_i32_0 = arith.constant 0 : i32
    %c0_i32_1 = arith.constant 0 : i32
    return %c0_i32, %c0_i32_0 : i32, i32
  }
  func.func @transform_2(%arg0: i32) -> (i32, i32) {
    %c0_i32 = arith.constant 0 : i32
    %c0_i32_0 = arith.constant 0 : i32
    %c0_i32_1 = arith.constant 0 : i32
    return %c0_i32, %c0_i32_0 : i32, i32
  }
  func.func @transform_3(%arg0: i32) -> (i32, i32) {
    %c0_i32 = arith.constant 0 : i32
    %c0_i32_0 = arith.constant 0 : i32
    return %arg0, %c0_i32 : i32, i32
  }
}

module attributes {stable_mosaic.version = 14 : i64} {
  func.func @_xw_body(%arg0: i32, %arg1: i32, %arg2: memref<10000x128xf32, #tpu.memory_space<vmem>>, %arg3: memref<1x128x128xf32, #tpu.memory_space<vmem>>, %arg4: memref<1x10000x128xf32, #tpu.memory_space<vmem>>) attributes {dimension_semantics = [#tpu.dimension_semantics<arbitrary>, #tpu.dimension_semantics<arbitrary>], iteration_bounds = array<i64: 1, 16>, scalar_prefetch = 0 : i64, scratch_operands = 0 : i64, tpu.core_type = #tpu.core_type<tc>, window_params = [{transform_indices = @transform_0, window_bounds = array<i64: 10000, 128>}, {transform_indices = @transform_1, window_bounds = array<i64: 1, 128, 128>}, {transform_indices = @transform_2, window_bounds = array<i64: 1, 10000, 128>}]} {
    %get3A = arith.constant 0 : index
    %get3A_0 = arith.constant 0 : index
    %get3A_1 = vector.load %arg2[%get3A, %get3A_0] : memref<10000x128xf32, #tpu.memory_space<vmem>>, vector<10000x128xf32>
    %get3A_2 = arith.constant 0 : index
    %get3A_3 = arith.constant 0 : index
    %get3A_4 = arith.constant 0 : index
    %get3A_5 = vector.load %arg3[%get3A_2, %get3A_3, %get3A_4] : memref<1x128x128xf32, #tpu.memory_space<vmem>>, vector<1x128x128xf32>
    %get3A_6 = vector.shape_cast %get3A_5 : vector<1x128x128xf32> to vector<128x128xf32>
    %dot_general3A = arith.constant dense<0.000000e+00> : vector<10000x128xf32>
    %dot_general3A_7 = tpu.matmul %get3A_1, %get3A_6, %dot_general3A {dimension_numbers = #tpu.dot_dimension_numbers<[1], [0], [0], [1], [0, 0, 1, 1], [], []>, transpose_lhs_hint = false} : vector<10000x128xf32>, vector<128x128xf32>, vector<10000x128xf32> -> vector<10000x128xf32>
    %swap3A = arith.constant 0 : index
    %swap3A_8 = arith.constant 0 : index
    %swap3A_9 = arith.constant 0 : index
    %swap3A_10 = vector.load %arg4[%swap3A, %swap3A_8, %swap3A_9] : memref<1x10000x128xf32, #tpu.memory_space<vmem>>, vector<1x10000x128xf32>
    %swap3A_11 = vector.shape_cast %swap3A_10 : vector<1x10000x128xf32> to vector<10000x128xf32>
    %swap3A_12 = vector.shape_cast %dot_general3A_7 : vector<10000x128xf32> to vector<1x10000x128xf32>
    tpu.vector_store %arg4[%swap3A, %swap3A_8, %swap3A_9], %swap3A_12 {strides = array<i32>} : memref<1x10000x128xf32, #tpu.memory_space<vmem>>, vector<1x10000x128xf32>,
    return
  }
  func.func @transform_0(%arg0: i32, %arg1: i32) -> (i32, i32) {
    %c0_i32 = arith.constant 0 : i32
    %c0_i32_0 = arith.constant 0 : i32
    return %arg0, %c0_i32 : i32, i32
  }
  func.func @transform_1(%arg0: i32, %arg1: i32) -> (i32, i32, i32) {
    %c0_i32 = arith.constant 0 : i32
    %c0_i32_0 = arith.constant 0 : i32
    %c0_i32_1 = arith.constant 0 : i32
    return %arg1, %c0_i32, %c0_i32_0 : i32, i32, i32
  }
  func.func @transform_2(%arg0: i32, %arg1: i32) -> (i32, i32, i32) {
    %c0_i32 = arith.constant 0 : i32
    %c0_i32_0 = arith.constant 0 : i32
    return %arg1, %arg0, %c0_i32 : i32, i32, i32
  }
}

module attributes {stable_mosaic.version = 14 : i64} {
  func.func @_final_body(%arg0: i32, %arg1: memref<2x2000x128xf32, #tpu.memory_space<vmem>>, %arg2: memref<2000x128xf32, #tpu.memory_space<vmem>>, %arg3: memref<2000x128xf32, #tpu.memory_space<vmem>>) attributes {dimension_semantics = [#tpu.dimension_semantics<arbitrary>], iteration_bounds = array<i64: 5>, scalar_prefetch = 0 : i64, scratch_operands = 0 : i64, tpu.core_type = #tpu.core_type<tc>, window_params = [{transform_indices = @transform_0, window_bounds = array<i64: 2, 2000, 128>}, {transform_indices = @transform_1, window_bounds = array<i64: 2000, 128>}, {transform_indices = @transform_2, window_bounds = array<i64: 2000, 128>}]} {
    %get3A = arith.constant 0 : index
    %get3A_0 = arith.constant 0 : index
    %get3A_1 = arith.constant 0 : index
    %get3A_2 = vector.load %arg1[%get3A, %get3A_0, %get3A_1] : memref<2x2000x128xf32, #tpu.memory_space<vmem>>, vector<1x2000x128xf32>
    %get3A_3 = vector.shape_cast %get3A_2 : vector<1x2000x128xf32> to vector<2000x128xf32>
    %get3A_4 = arith.constant 1 : index
    %get3A_5 = arith.constant 0 : index
    %get3A_6 = arith.constant 0 : index
    %get3A_7 = vector.load %arg1[%get3A_4, %get3A_5, %get3A_6] : memref<2x2000x128xf32, #tpu.memory_space<vmem>>, vector<1x2000x128xf32>
    %get3A_8 = vector.shape_cast %get3A_7 : vector<1x2000x128xf32> to vector<2000x128xf32>
    %add3A = arith.addf %get3A_3, %get3A_8 : vector<2000x128xf32>
    %get3A_9 = arith.constant 0 : index
    %get3A_10 = arith.constant 0 : index
    %get3A_11 = vector.load %arg2[%get3A_9, %get3A_10] : memref<2000x128xf32, #tpu.memory_space<vmem>>, vector<2000x128xf32>
    %add3A_12 = arith.addf %add3A, %get3A_11 : vector<2000x128xf32>
    %max3A = arith.constant 0.000000e+00 : f32
    %max3A_13 = vector.broadcast %max3A : f32 to vector<2000x128xf32>
    %max3A_14 = arith.maximumf %add3A_12, %max3A_13 : vector<2000x128xf32>
    %swap3A = arith.constant 0 : index
    %swap3A_15 = arith.constant 0 : index
    %swap3A_16 = vector.load %arg3[%swap3A, %swap3A_15] : memref<2000x128xf32, #tpu.memory_space<vmem>>, vector<2000x128xf32>
    tpu.vector_store %arg3[%swap3A, %swap3A_15], %max3A_14 {strides = array<i32>} : memref<2000x128xf32, #tpu.memory_space<vmem>>, vector<2000x128xf32>,
    return
  }
  func.func @transform_0(%arg0: i32) -> (i32, i32, i32) {
    %c0_i32 = arith.constant 0 : i32
    %c0_i32_0 = arith.constant 0 : i32
    %c0_i32_1 = arith.constant 0 : i32
    return %c0_i32, %arg0, %c0_i32_0 : i32, i32, i32
  }
  func.func @transform_1(%arg0: i32) -> (i32, i32) {
    %c0_i32 = arith.constant 0 : i32
    %c0_i32_0 = arith.constant 0 : i32
    return %arg0, %c0_i32 : i32, i32
  }
  func.func @transform_2(%arg0: i32) -> (i32, i32) {
    %c0_i32 = arith.constant 0 : i32
    %c0_i32_0 = arith.constant 0 : i32
    return %arg0, %c0_i32 : i32, i32
  }
}

</mosaic_0001>

<sc_bundles>
// kernel: kernel.6.cloned.1.call-start
scs
__scs_entry_jumppad:
0x0: {  	(pc) =	sbr.rel $0x88, $3  }
0x1: {  	(tag) =	ssettag $0x0;
	lr =	simm.s32 $0x1  }
0x2: {  	[smem:$0x3F9B] =	sst lr;
	_ =	strace $0xD0000000  }
0x3: {  	_ = 	snop  }
0x4: {  	_ = 	snop  }
0x5: {  	_ = 	snop  }
0x6: {  	_ = 	snop  }
0x7: {  	_ = 	snop  }
__scs_overlays_trampoline_lowered:
0x8: {  	[smem:$0x3FAA] =	sst s0  }
0x9: {  	[smem:$0x3FAB] =	sst s1  }
0xa: {  	[smem:$0x3FAC] =	sst s2  }
0xb: {  	[smem:$0x3FAD] =	sst s3  }
0xc: {  	[smem:$0x3FAE] =	sst s4  }
0xd: {  	[smem:$0x3FAF] =	sst s5  }
0xe: {  	[smem:$0x3FB0] =	sst s6  }
0xf: {  	[smem:$0x3FB1] =	sst s7  }
0x10: {  	[smem:$0x3FB2] =	sst s8  }
0x11: {  	[smem:$0x3FB3] =	sst s9;
	s0 =	simm.s32 @!p0 $0x0  }
0x12: {  	s1 =	sld [smem:$0x3F99];
	s0 =	simm.s32 @p0 $0x1  }
0x13: {  	[smem:$0x3FB4] =	sst s0;
	s0 =	simm.s32 @!p1 $0x0  }
0x14: {  	s2 =	sld [smem:$0x3F98];
	s0 =	simm.s32 @p1 $0x1  }
0x15: {  	[smem:$0x3FB5] =	sst s0;
	s0 =	simm.s32 @!p2 $0x0  }
0x16: {  	s3 =	sld [smem:$0x3FDB];
	s0 =	simm.s32 @p2 $0x1  }
0x17: {  	s4 =	simm.s32 $0x1BF5;
	[smem:$0x3FB7] =	sst s0  }
0x18: {  	s0 =	sld [smem:$0x3F9A];
	_ =	swait.ge [sflag:s4], $0x0  }
0x19: {  	s7 =	sld [smem:$0x3F9B]  }
0x1a: {  	s8 =	sadd.s32 $0xFFFFE003, lr  }
0x1b: {  	s9 =	sadd.s32 $0xFFFFFEF7, lr;
	s5 =	simm.s32 $0xFFFFFFFF;
	p2 =	slt.u32 s8, $0xFFFFF086  }
0x1c: {  	p1 =	slt.u32 s9, $0xF7A;
	s5 =	simm.s32 @!p2 $0x0  }
0x1d: {  	s5 =	simm.s32 @p1 $0x1;
	p0 =	seq.s32 s7, s2  }
0x1e: {  	s7 =	smul.u32 @!p0 $0xF7A, s2;
	p2 =	seq.s32 @!p0 s5, $0x0  }
0x1f: {  	s9 =	smul.u32 $0xF7A, s1;
	s8 =	simm.s32 @!p0 $0x1BF5;
	p2 =	por !p2, p0  }
0x20: {  	[sflag:s8] =	ssyncset.s32 @!p0 $0xFFFFF086;
	s6 =	sadd.s32 @!p0 s3, s7;
	s7 =	simm.s32 @!p0 $0x108  }
0x21: {  	s3 =	sadd.s32 s3, s9;
	s6 =	sadd.s32 @!p0 $0x88, s6;
	s7 =	simm.s32 @p2 $0x1082  }
0x22: {  	[simem:s7], [sflag:s8] =	dma.local @!p0 [hbm:s6], $0xF7A  }
0x23: {  	s9 =	sor.u32 $0xD0000000, s2;
	s6 =	simm.s32 $0x108;
	_ =	swait.ge @!p0 [sflag:s8], $0x0  }
0x24: {  	s3 =	sadd.s32 $0x88, s3;
	s6 =	simm.s32 @!p1 $0x1082;
	[sflag:s4] =	ssyncset.s32 $0xFFFFF086  }
0x25: {  	[simem:s6], [sflag:s4] =	dma.local [hbm:s3], $0xF7A  }
0x26: {  	[smem:$0x3F9B] =	sst s1;
	(tag) =	ssettag s2;
	_ =	strace s9  }
0x27: {  	s1 =	sld [smem:$0x3FAB]  }
0x28: {  	s2 =	sld [smem:$0x3FAC]  }
0x29: {  	s4 =	sld [smem:$0x3FAE]  }
0x2a: {  	p0 =	seq.s32 s5, $0x0;
	s5 =	sld [smem:$0x3FAF]  }
0x2b: {  	s6 =	sld [smem:$0x3FB0]  }
0x2c: {  	s7 =	sld [smem:$0x3FB1]  }
0x2d: {  	s3 =	simm.s32 $0x108;
	s8 =	sld [smem:$0x3FB2]  }
0x2e: {  	s3 =	simm.s32 @!p0 $0x1082;
	s9 =	sld [smem:$0x3FB3]  }
0x2f: {  	lr =	sadd.s32 s0, s3;
	s0 =	sld [smem:$0x3FAA]  }
0x30: {  	s3 =	sld [smem:$0x3FAD]  }
0x31: {  	[smem:$0x3FB6] =	sst s10  }
0x32: {  	s10 =	sld [smem:$0x3FB4];
	_ =	sdelay $0x3  }
0x33: {  	p0 =	seq.s32 s10, $0x1;
	s10 =	sld [smem:$0x3FB6];
	_ =	sdelay $0x3  }
0x34: {  	[smem:$0x3FB6] =	sst s10  }
0x35: {  	s10 =	sld [smem:$0x3FB5];
	_ =	sdelay $0x3  }
0x36: {  	p1 =	seq.s32 s10, $0x1;
	s10 =	sld [smem:$0x3FB6];
	_ =	sdelay $0x3  }
0x37: {  	[smem:$0x3FB6] =	sst s10  }
0x38: {  	s10 =	sld [smem:$0x3FB7]  }
0x39: {  	_ = 	snop;
	(pc) =	sbr.ind lr, $3  }
0x3a: {  	_ = 	snop  }
0x3b: {  	_ = 	snop  }
0x3c: {  	p2 =	seq.s32 s10, $0x1;
	s10 =	sld [smem:$0x3FB6]  }
0x3d: {  	_ =	shalt  }
0x3e: {  	_ =	shalt  }
0x3f: {  	_ =	shalt  }
0x40: {  	_ =	shalt  }
0x41: {  	_ =	shalt  }
0x42: {  	_ =	shalt  }
0x43: {  	_ =	shalt  }
0x44: {  	_ =	shalt  }
0x45: {  	_ =	shalt  }
0x46: {  	_ =	shalt  }
0x47: {  	_ =	shalt  }
0x48: {  	_ =	shalt  }
0x49: {  	_ =	shalt  }
0x4a: {  	_ =	shalt  }
0x4b: {  	_ =	shalt  }
0x4c: {  	_ =	shalt  }
0x4d: {  	_ =	shalt  }
0x4e: {  	_ =	shalt  }
0x4f: {  	_ =	shalt  }
0x50: {  	_ =	shalt  }
0x51: {  	_ =	shalt  }
0x52: {  	_ =	shalt  }
0x53: {  	_ =	shalt  }
0x54: {  	_ =	shalt  }
0x55: {  	_ =	shalt  }
0x56: {  	_ =	shalt  }
0x57: {  	_ =	shalt  }
0x58: {  	_ =	shalt  }
0x59: {  	_ =	shalt  }
0x5a: {  	_ =	shalt  }
0x5b: {  	_ =	shalt  }
0x5c: {  	_ =	shalt  }
0x5d: {  	_ =	shalt  }
0x5e: {  	_ =	shalt  }
0x5f: {  	_ =	shalt  }
0x60: {  	_ =	shalt  }
0x61: {  	_ =	shalt  }
0x62: {  	_ =	shalt  }
0x63: {  	_ =	shalt  }
0x64: {  	_ =	shalt  }
0x65: {  	_ =	shalt  }
0x66: {  	_ =	shalt  }
0x67: {  	_ =	shalt  }
0x68: {  	_ =	shalt  }
0x69: {  	_ =	shalt  }
0x6a: {  	_ =	shalt  }
0x6b: {  	_ =	shalt  }
0x6c: {  	_ =	shalt  }
0x6d: {  	_ =	shalt  }
0x6e: {  	_ =	shalt  }
0x6f: {  	_ =	shalt  }
0x70: {  	_ =	shalt  }
0x71: {  	_ =	shalt  }
0x72: {  	_ =	shalt  }
0x73: {  	_ =	shalt  }
0x74: {  	_ =	shalt  }
0x75: {  	_ =	shalt  }
0x76: {  	_ =	shalt  }
0x77: {  	_ =	shalt  }
0x78: {  	_ =	shalt  }
0x79: {  	_ =	shalt  }
0x7a: {  	_ =	shalt  }
0x7b: {  	_ =	shalt  }
0x7c: {  	_ =	shalt  }
0x7d: {  	_ =	shalt  }
0x7e: {  	_ =	shalt  }
0x7f: {  	_ =	shalt  }
0x80: {  	_ =	shalt  }
0x81: {  	_ =	shalt  }
0x82: {  	_ =	shalt  }
0x83: {  	_ =	shalt  }
0x84: {  	_ =	shalt  }
0x85: {  	_ =	shalt  }
0x86: {  	_ =	shalt  }
0x87: {  	_ =	shalt  }
.Lfunc_end0:
.L_simem_size_0:
called_computation_lowered:
.L_overlay_start_0:
0x88: {  	s2 =	sld [smem:$0x3FD9]  }
0x89: {  	s3 =	sld [smem:$0x3FFE];
	_ =	sdelay $0x1  }
0x8a: {  	s1 =	srdreg.scid  }
0x8b: {  	s0 =	sand.u32 $0x1, s1  }
0x8c: {  	s17 =	sshll.u32 s0, $0xA;
	s2 =	sadd.s32 s3, s2  }
0x8d: {  	s2 =	sadd.s32 s2, s17  }
0x8e: {  	[smem:$0x3FC2] =	sst s2  }
0x8f: {  	_ = 	snop  }
0x90: {  	s2 =	sld [smem:$0x3FC7]  }
0x91: {  	s18 =	sld [smem:$0x3FD0];
	(tm) =	ssettm $0x1  }
0x92: {  	s4 =	sld [smem:$0x3FFB];
	_ =	sdelay $0x3  }
0x93: {  	_ =	strace s4  }
0x94: {  	s4 =	sld [smem:$0x3FFC];
	_ =	sdelay $0x3  }
0x95: {  	_ =	strace s4  }
0x96: {  	s4 =	sld [smem:$0x3FFD];
	_ =	sdelay $0x3  }
0x97: {  	_ =	strace s4  }
0x98: {  	_ =	strace $0x8FFFFFFF  }
0x99: {  	s19 =	sld [smem:$0x3FDB];
	_ =	sdelay $0x1  }
0x9a: {  	s5 =	simm.s32 $_scs_section_size  }
0x9b: {  	s6 =	simm.s32 $_size__tile_overlayer_lowered;
	s7 =	simm.s32 $_tile_overlayer_lowered  }
0x9c: {  	s22 =	simm.s32 $0x1BFF;
	s21 =	sshll.u32 s7, $0x1;
	s4 =	sadd.s32 s5, s19  }
0x9d: {  	s8 =	simm.s32 $0x0;
	s20 =	sshll.u32 s6, $0x1;
	s6 =	sadd.s32 s21, s4  }
0x9e: {  	[timem:s8], [sflag:s22] =	dma.local [hbm:s6], s20  }
0x9f: {  	_ =	swait.ge [sflag:s22], s20  }
0xa0: {  	s5 =	ssub.s32 $0x0, s20;
	[sflag:s22] =	ssyncset.done $0x0  }
0xa1: {  	[sflag:s22] =	ssyncadd.s32 s5;
	_ =	sdelay $0x1  }
0xa2: {  	s23 =	simm.s32 $0x1B8B  }
0xa3: {  	_ =	swait.ge [sflag:s23], $0x1  }
0xa4: {  	[sflag:s23] =	ssyncset.done $0x0  }
0xa5: {  	s25 =	simm.s32 $0x1B8E;
	s24 =	sld [smem:$0x3FFE];
	[sflag:s23] =	ssyncadd.s32 $0xFFFFFFFF  }
0xa6: {  	s26 =	simm.s32 $execute0_lowered;
	[smem:$0x3FD2] =	sst s25  }
0xa7: {  	s6 =	sshll.u32 s26, $0x1;
	_ =	strace $0x80000046;
	[dreg:$0x1] =	wrdreg $0xFFFFFFFF  }
0xa8: {  	s28 =	simm.s32 $_size_execute0_lowered;
	s4 =	sadd.s32 s4, s6;
	[dreg:$0x0] =	wrdreg $0x0  }
0xa9: {  	s6 =	sshll.u32 s28, $0x1;
	[dreg:$0x2] =	wrdreg s4  }
0xaa: {  	[dreg:$0x3] =	wrdreg s6  }
0xab: {  	[dreg:$0x4] =	wrdreg $0xC0  }
0xac: {  	_ =	task [dreg:s8], $0x5FFFF  }
0xad: {  	[dreg:$0x1] =	wrdreg $0xFFFFFFFF  }
0xae: {  	[dreg:$0x0] =	wrdreg $0x60  }
0xaf: {  	[dreg:$0x2] =	wrdreg s24  }
0xb0: {  	[dreg:$0x3] =	wrdreg s18  }
0xb1: {  	[dreg:$0x4] =	wrdreg s2  }
0xb2: {  	[dreg:$0x5] =	wrdreg $0x40000  }
0xb3: {  	[dreg:$0x6] =	wrdreg $0x9  }
0xb4: {  	_ =	task.clear_ibuf [dreg:s8], $0x7FFFF;
	_ =	strace $0x90000046  }
0xb5: {  	s29 =	simm.s32 $0x9;
	_ =	strace $0x80000048  }
0xb6: {  	_ =	swait.ge [sflag:s29], $0x1  }
0xb7: {  	[sflag:s29] =	ssyncadd.s32 $0xFFFFFFFF  }
0xb8: {  	_ =	strace $0x90000048  }
0xb9: {  	_ =	sfence  }
0xba: {  	s30 =	sld [smem:$0x0];
	_ =	sdelay $0x2  }
0xbb: {  	s31 =	sshll.u32 s1, $0xD;
	s1 =	sshrl.u32 s1, $0x2  }
0xbc: {  	s3 =	sand.u32 $0x4000, s31;
	s1 =	sadd.s32 s1, s30  }
0xbd: {  	s0 =	sor.u32 s3, s0;
	s1 =	sshll.u32 s1, $0x11  }
0xbe: {  	s0 =	sor.u32 s1, s0  }
0xbf: {  	s0 =	sadd.s32 $0x8F2B, s0  }
0xc0: {  	[sflag:s0] =	ssyncadd.remote.s32 $0x1  }
0xc1: {  	_ =	sfence.sel $0xFFFF  }
0xc2: {  	[dreg:$0x0] =	wrdreg $0xFFFFFFFF;
	(pc) =	sbr.abs _section_cstart, $3  }
0xc3: {  	[dreg:$0x1] =	wrdreg $0xFFFFFFFF  }
0xc4: {  	_ =	task.clear_ibuf [dreg:s8], $0x2FFFF;
	_ =	strace $0x9FFFFFFF  }
0xc5: {  	(tm) =	ssettm $0x7FFFFFFF  }
tec
execute0_lowered:
.L_overlay_start_1:
0x0: {  	(tag) =	ssettag $0x1  }
0x1: {  	s8 =	rddreg [dreg:$0x0]  }
0x2: {  	s1 =	rddreg [dreg:$0x1]  }
0x3: {  	s2 =	rddreg [dreg:$0x2]  }
0x4: {  	s3 =	rddreg [dreg:$0x3]  }
0x5: {  	s4 =	srdreg.scid;
	s0 =	rddreg [dreg:$0x4];
	s5 =	simm.s32 $0x0  }
0x6: {  	s15 =	simm.s32 $0x1000;
	s16 =	simm.s32 $0x28;
	s17 =	simm.s32 $0x1800  }
0x7: {  	s18 =	simm.s32 $0x2C00;
	s19 =	simm.s32 $0x1;
	s20 =	simm.s32 $0x2  }
0x8: {  	s21 =	simm.s32 $0x7A8;
	s22 =	simm.s32 $0x1780;
	s9 =	sand.u32 $0x1, s4  }
0x9: {  	s23 =	simm.s32 $0x17A8;
	s4 =	stileid.u32;
	s7 =	smul.u32 $0x13C000, s9  }
0xa: {  	[smem:$0x7FF] =	sst s5;
	s6 =	sadd.s32 $0xE00, s8;
	s10 =	smul.u32 $0x13C00, s4  }
0xb: {  	_ =	strace $0x80000047;
	s26 =	ssub.s32 $0x2, s9;
	s13 =	smul.u32 $0x4F000, s4  }
0xc: {  	s28 =	sshll.u32 s9, $0x4;
	s30 =	sshll.u32 s4, $0x6;
	s12 =	sshrl.u32 s26, $0x1  }
0xd: {  	s31 =	sor.u32 s4, s28;
	s7 =	sadd.s32 s10, s7;
	s12 =	ssub.s32 s26, s12  }
0xe: {  	s29 =	sshrl.u32 s13, $0x2;
	s9 =	smul.u32 $0x2710, s31;
	s11 =	sshrl.u32 s7, $0x3  }
0xf: {  	s13 =	simm.s32 $0x3;
	s7 =	sadd.s32 $0x271E00, s8;
	s11 =	sadd.s32 s11, s8  }
0x10: {  	s14 =	sadd.s32 s29, s3;
	s8 =	sor.u32 $0x1C03, s30;
	s10 =	sadd.s32 $0x274600, s11  }
0x11: {  	s11 =	smax.u32 s12, $0x1;
	s12 =	sshrl.u32 s14, $0x3;
	s14 =	simm.s32 $0x800  }
.LBB2_1:
0x12: {  	[spmem:s12], [sflag:s8] =	dma.local [hbm:s7], $0x2780  }
0x13: {  	_ =	swait.ge [sflag:s13], $0x2780  }
0x14: {  	[sflag:s13] =	ssyncset.done $0x0  }
0x15: {  	[sflag:s13] =	ssyncadd.s32 $0xFFFFD880  }
0x16: {  	s24 =	simm.s32 $0x0;
	[bflag:$0x0] =	sbarrier.arrive $0xFFFF  }
.LBB2_2:
0x17: {  	s25 =	smul.u32 $0x7D0, s24;
	_ =	sdelay $0x1  }
0x18: {  	s25 =	sadd.s32 s9, s25  }
0x19: {  	s25 =	sshrl.u32 s25, $0x3  }
0x1a: {  	s28 =	simm.s32 $0x0;
	s26 =	sadd.s32 s1, s25  }
0x1b: {  	[tilespmem:s28], [sflag:$0x3] =	stream.linear.gather [hbm4b:s26+s28], $0x7D0, $0x38;
	[tilespmem:$0x17C00] =	vst v63  }
0x1c: {  	_ =	swait.ge [sflag:s13], $0x7D0  }
0x1d: {  	[sflag:s13] =	ssyncset.done $0x0  }
0x1e: {  	s25 =	sadd.s32 s2, s25;
	[sflag:s13] =	ssyncadd.s32 $0xFFFFF830  }
0x1f: {  	[tilespmem:s14], [sflag:$0x3] =	stream.linear.gather [hbm4b:s25+s28], $0x7D0, $0x38;
	[tilespmem:$0x17C00] =	vst v63  }
0x20: {  	_ =	swait.ge [sflag:s13], $0x7D0  }
0x21: {  	[sflag:s13] =	ssyncset.done $0x0  }
0x22: {  	s31 =	sadd.s32 $0x9C40, s26;
	[sflag:s13] =	ssyncadd.s32 $0xFFFFF830  }
0x23: {  	[tilespmem:s15], [sflag:$0x3] =	stream.linear.gather [hbm4b:s31+s28], $0x7D0, $0x38;
	[tilespmem:$0x17C00] =	vst v63  }
0x24: {  	_ =	swait.ge [sflag:s13], $0x7D0  }
0x25: {  	[sflag:s13] =	ssyncset.done $0x0  }
0x26: {  	s25 =	simm.s32 $0x0;
	[sflag:s13] =	ssyncadd.s32 $0xFFFFF830  }
0x27: {  	v1 =	vld [tilespmem:s25+$0x800];
	_ =	sdelay $0x1  }
0x28: {  	v0 =	vld [tilespmem:s25+$0x0];
	_ =	sdelay $0x2  }
0x29: {  	v1 =	vmul.u32 $0x2710, v1  }
0x2a: {  	s26 =	simm.s32 $0x10;
	s28 =	simm.s32 $0x80  }
.LBB2_3:
0x2b: {  	p0 =	sne.s32 s28, $0x1F00;
	v2 =	vld [tilespmem:s26+$0x800];
	v0 =	vadd.s32 v0, v1  }
0x2c: {  	[tilespmem:s25+$0x0] =	vst v0;
	s25 =	smov.u32 s26  }
.Ltmp0:
0x2d: {  	v0 =	vld [tilespmem:s25+$0x0];
	(pc) =	sbr.rel @p0 .LBB2_3-.Ltmp0, $3  }
0x2e: {  	_ =	sdelay $0x1  }
0x2f: {  	v1 =	vmul.u32 $0x2710, v2  }
0x30: {  	s26 =	sshra.s32 s28, $0x2;
	s28 =	sadd.s32 $0x40, s28  }
0x31: {  	v2 =	vld [tilespmem:s26+$0x800];
	v0 =	vadd.s32 v0, v1  }
0x32: {  	[tilespmem:s25+$0x0] =	vst v0  }
0x33: {  	v0 =	vld [tilespmem:s26+$0x0];
	_ =	sdelay $0x2  }
0x34: {  	v63 =	vmul.u32 $0x2710, v2;
	_ =	sdelay $0x1  }
0x35: {  	v0 =	vadd.s32 v0, v63  }
0x36: {  	[tilespmem:s26+$0x0] =	vst v0;
	s26 =	simm.s32 $0x0  }
0x37: {  	[tilespmem:s17], [sflag:$0x1] =	stream.indirect.gather [hbm4b:s6+s16], $0x80, s26, s16, $0xb8;
	[tilespmem:$0x17C00] =	vst v63  }
0x38: {  	s28 =	simm.s32 $0x28  }
0x39: {  	[tilespmem:s18], [sflag:$0x2] =	stream.indirect.gather [hbm4b:s6+s16], $0x80, s28, s16, $0xb8;
	[tilespmem:$0x17C00] =	vst v63  }
0x3a: {  	_ =	swait.ge [sflag:s19], $0x1400  }
0x3b: {  	[sflag:s19] =	ssyncset.done $0x0  }
0x3c: {  	s29 =	simm.s32 $0x1000;
	[sflag:s19] =	ssyncadd.s32 $0xFFFFEC00  }
0x3d: {  	[spmem:s3] =	stream.indirect.scatter.add.f32 [tilespmem:s17], [sflag:$0x3], $0x80, s29, s16, $0xb8;
	[tilespmem:$0x17C00] =	vst v63  }
0x3e: {  	_ =	swait.ge [sflag:s13], $0x1400  }
0x3f: {  	[sflag:s13] =	ssyncset.done $0x0  }
0x40: {  	s30 =	simm.s32 $0x50;
	[sflag:s13] =	ssyncadd.s32 $0xFFFFEC00  }
0x41: {  	[tilespmem:s17], [sflag:$0x1] =	stream.indirect.gather [hbm4b:s6+s16], $0x80, s30, s16, $0xb8;
	[tilespmem:$0x17C00] =	vst v63  }
0x42: {  	_ =	swait.ge [sflag:s20], $0x1400  }
0x43: {  	[sflag:s20] =	ssyncset.done $0x0  }
0x44: {  	s31 =	simm.s32 $0x1028;
	[sflag:s20] =	ssyncadd.s32 $0xFFFFEC00  }
0x45: {  	[spmem:s3] =	stream.indirect.scatter.add.f32 [tilespmem:s18], [sflag:$0x3], $0x80, s31, s16, $0xb8;
	[tilespmem:$0x17C00] =	vst v63  }
0x46: {  	_ =	swait.ge [sflag:s13], $0x1400  }
0x47: {  	s25 =	simm.s32 $0x50;
	s26 =	simm.s32 $0x280;
	[sflag:s13] =	ssyncset.done $0x0  }
.LBB2_5:
0x48: {  	s28 =	sadd.s32 $0x28, s25  }
0x49: {  	[sflag:s13] =	ssyncadd.s32 $0xFFFFEC00;
	s29 =	smov.u32 s26;
	s30 =	sadd.s32 $0x140, s26  }
0x4a: {  	[tilespmem:s18], [sflag:$0x2] =	stream.indirect.gather [hbm4b:s6+s16], $0x80, s28, s16, $0xb8;
	[tilespmem:$0x17C00] =	vst v63  }
0x4b: {  	p0 =	sne.s32 s26, $0x1CC0;
	_ =	swait.ge [sflag:s19], $0x1400  }
0x4c: {  	[sflag:s19] =	ssyncset.done $0x0  }
0x4d: {  	s26 =	sadd.s32 $0x1000, s25;
	[sflag:s19] =	ssyncadd.s32 $0xFFFFEC00  }
0x4e: {  	[spmem:s3] =	stream.indirect.scatter.add.f32 [tilespmem:s17], [sflag:$0x3], $0x80, s26, s16, $0xb8;
	[tilespmem:$0x17C00] =	vst v63  }
0x4f: {  	_ =	swait.ge [sflag:s13], $0x1400  }
0x50: {  	[sflag:s13] =	ssyncset.done $0x0  }
0x51: {  	s26 =	sadd.s32 $0x50, s25;
	[sflag:s13] =	ssyncadd.s32 $0xFFFFEC00  }
0x52: {  	[tilespmem:s17], [sflag:$0x1] =	stream.indirect.gather [hbm4b:s6+s16], $0x80, s26, s16, $0xb8;
	[tilespmem:$0x17C00] =	vst v63  }
0x53: {  	_ =	swait.ge [sflag:s20], $0x1400  }
.Ltmp1:
0x54: {  	[sflag:s20] =	ssyncset.done $0x0;
	(pc) =	sbr.rel @p0 .LBB2_5-.Ltmp1, $4  }
0x55: {  	s25 =	sadd.s32 $0x1028, s25;
	[sflag:s20] =	ssyncadd.s32 $0xFFFFEC00  }
0x56: {  	[spmem:s3] =	stream.indirect.scatter.add.f32 [tilespmem:s18], [sflag:$0x3], $0x80, s25, s16, $0xb8;
	[tilespmem:$0x17C00] =	vst v63  }
0x57: {  	_ =	swait.ge [sflag:s13], $0x1400  }
0x58: {  	s26 =	smov.u32 s30;
	s25 =	sshra.s32 s29, $0x2;
	[sflag:s13] =	ssyncset.done $0x0  }
0x59: {  	s26 =	sadd.s32 $0x28, s25;
	[sflag:s13] =	ssyncadd.s32 $0xFFFFEC00  }
0x5a: {  	[tilespmem:s18], [sflag:$0x2] =	stream.indirect.gather [hbm4b:s6+s16], $0x80, s26, s16, $0xb8;
	[tilespmem:$0x17C00] =	vst v63  }
0x5b: {  	_ =	swait.ge [sflag:s19], $0x1400  }
0x5c: {  	[sflag:s19] =	ssyncset.done $0x0  }
0x5d: {  	s29 =	sadd.s32 $0x1000, s25;
	[sflag:s19] =	ssyncadd.s32 $0xFFFFEC00  }
0x5e: {  	[spmem:s3] =	stream.indirect.scatter.add.f32 [tilespmem:s17], [sflag:$0x3], $0x80, s29, s16, $0xb8;
	[tilespmem:$0x17C00] =	vst v63  }
0x5f: {  	_ =	swait.ge [sflag:s13], $0x1400  }
0x60: {  	[sflag:s13] =	ssyncset.done $0x0  }
0x61: {  	s30 =	sadd.s32 $0x50, s25;
	[sflag:s13] =	ssyncadd.s32 $0xFFFFEC00  }
0x62: {  	[tilespmem:s17], [sflag:$0x1] =	stream.indirect.gather [hbm4b:s6+s16], $0x80, s30, s16, $0xb8;
	[tilespmem:$0x17C00] =	vst v63  }
0x63: {  	_ =	swait.ge [sflag:s20], $0x1400  }
0x64: {  	[sflag:s20] =	ssyncset.done $0x0  }
0x65: {  	s31 =	sadd.s32 $0x1028, s25;
	[sflag:s20] =	ssyncadd.s32 $0xFFFFEC00  }
0x66: {  	[spmem:s3] =	stream.indirect.scatter.add.f32 [tilespmem:s18], [sflag:$0x3], $0x80, s31, s16, $0xb8;
	[tilespmem:$0x17C00] =	vst v63  }
0x67: {  	_ =	swait.ge [sflag:s13], $0x1400  }
0x68: {  	[sflag:s13] =	ssyncset.done $0x0  }
0x69: {  	[sflag:s13] =	ssyncadd.s32 $0xFFFFEC00  }
0x6a: {  	[tilespmem:s18], [sflag:$0x2] =	stream.indirect.gather [hbm4b:s6+s16], $0x80, s21, s16, $0xb8;
	[tilespmem:$0x17C00] =	vst v63  }
0x6b: {  	_ =	swait.ge [sflag:s19], $0x1400  }
0x6c: {  	[sflag:s19] =	ssyncset.done $0x0  }
0x6d: {  	[sflag:s19] =	ssyncadd.s32 $0xFFFFEC00  }
0x6e: {  	[spmem:s3] =	stream.indirect.scatter.add.f32 [tilespmem:s17], [sflag:$0x3], $0x80, s22, s16, $0xb8;
	[tilespmem:$0x17C00] =	vst v63  }
0x6f: {  	_ =	swait.ge [sflag:s13], $0x1400  }
0x70: {  	[sflag:s13] =	ssyncset.done $0x0  }
0x71: {  	[sflag:s13] =	ssyncadd.s32 $0xFFFFEC00  }
0x72: {  	[tilespmem:s17], [sflag:$0x1] =	stream.indirect.gather [hbm4b:s6+s16], $0x80, s21, s16, $0xb8;
	[tilespmem:$0x17C00] =	vst v63  }
0x73: {  	_ =	swait.ge [sflag:s20], $0x1400  }
0x74: {  	[sflag:s20] =	ssyncset.done $0x0  }
0x75: {  	s24 =	sadd.s32 $0x1, s24;
	[sflag:s20] =	ssyncadd.s32 $0xFFFFEC00  }
0x76: {  	[spmem:s3] =	stream.indirect.scatter.add.f32 [tilespmem:s18], [sflag:$0x3], $0x80, s23, s16, $0xb8;
	[tilespmem:$0x17C00] =	vst v63  }
0x77: {  	p0 =	sne.s32 s24, $0x5;
	_ =	swait.ge [sflag:s13], $0x1400  }
.Ltmp2:
0x78: {  	[sflag:s13] =	ssyncset.done $0x0;
	(pc) =	sbr.rel @p0 .LBB2_2-.Ltmp2, $4  }
0x79: {  	[sflag:s13] =	ssyncadd.s32 $0xFFFFEC00  }
0x7a: {  	_ =	swait.ge [sflag:s19], $0x1400  }
0x7b: {  	[sflag:s19] =	ssyncset.done $0x0  }
0x7c: {  	[sflag:s19] =	ssyncadd.s32 $0xFFFFEC00  }
0x7d: {  	s5 =	sadd.s32 $0x1, s5  }
0x7e: {  	p0 =	sne.s32 s5, s11  }
.Ltmp3:
0x7f: {  	[bflag:$0x0] =	sbarrier.arrive $0xFFFF;
	(pc) =	sbr.rel @p0 .LBB2_1-.Ltmp3, $4  }
0x80: {  	[hbm:s10], [sflag:s8] =	dma.local [spmem:s12], $0x2780  }
0x81: {  	_ =	swait.ge [sflag:s13], $0x2780  }
0x82: {  	[sflag:s13] =	ssyncset.done $0x0  }
0x83: {  	[sflag:s13] =	ssyncadd.s32 $0xFFFFD880  }
0x84: {  	_ =	sfence.sel $0x180000  }
0x85: {  	[bflag:$0x0] =	sbarrier.arrive $0xFFFF  }
0x86: {  	p0 =	sne.s32 s4, $0x0;
	_ =	strace $0x90000047  }
0x87: {  	s0 =	sadd.s32 @!p0 $0x100000, s0;
	[bflag:$0x2] =	sbarrier.arrive $0xFFFF  }
0x88: {  	[sflag:s0] =	ssyncadd.tile.s32 @!p0 $0x1;
	_ =	shalt  }
.Lfunc_end2:
_tile_overlayer_lowered:
.L_overlay_start_2:
0x89: {  	(tag) =	ssettag $0x2  }
0x8a: {  	s0 =	rddreg [dreg:$0x0];
	s2 =	stileid.u32  }
0x8b: {  	s1 =	rddreg [dreg:$0x1];
	p0 =	sne.s32 s2, $0x0  }
0x8c: {  	s3 =	rddreg [dreg:$0x2];
	[bflag:$0x3] =	sbarrier.arrive $0xFFFF;
	s2 =	simm.s32 @!p0 $0x1C03  }
0x8d: {  	[timem:s3], [sflag:s2] =	dma.local @!p0 [hbm:s0], s1  }
0x8e: {  	s0 =	simm.s32 @!p0 $0x3  }
0x8f: {  	_ =	swait.ge @!p0 [sflag:s0], s1  }
0x90: {  	s1 =	ssub.s32 @!p0 $0x0, s1;
	[sflag:s0] =	ssyncset.done @!p0 $0x0  }
0x91: {  	[sflag:s0] =	ssyncadd.s32 @!p0 s1  }
0x92: {  	[bflag:$0x3] =	sbarrier.arrive $0xFFFF  }
0x93: {  	_ =	shalt  }

</sc_bundles>
